<compile_context>
chip_gen: v7x
topology: tpu7x:2x2x1
jax: 0.10.2.dev20260603
libtpu: 0.0.44.dev20260713+nightly
codegen_flags: <defaults>
</compile_context>

<pallas_src>
import functools

import jax
import jax.numpy as jnp
import numpy as np
from jax.experimental import pallas as pl
from jax.experimental.pallas import tpu as pltpu

A = 9
STRIDE = 16
PRE_NMS = 6000
POST_NMS = 1000
NMS_THRESH = 0.7
MIN_SIZE = 16.0
_SCALES = np.array([8.0, 16.0, 32.0])
_RATIOS = np.array([0.5, 1.0, 2.0])


def _whctrs(anchor):
    w = anchor[2] - anchor[0] + 1.0
    h = anchor[3] - anchor[1] + 1.0
    return w, h, anchor[0] + 0.5 * (w - 1.0), anchor[1] + 0.5 * (h - 1.0)


def _mkanchors(ws, hs, xc, yc):
    return np.stack([xc - 0.5 * (ws - 1.0), yc - 0.5 * (hs - 1.0),
                     xc + 0.5 * (ws - 1.0), yc + 0.5 * (hs - 1.0)], axis=1)


def _base_anchors():
    base = np.array([0.0, 0.0, STRIDE - 1.0, STRIDE - 1.0])
    w, h, xc, yc = _whctrs(base)
    size = w * h
    ws = np.round(np.sqrt(size / _RATIOS))
    hs = np.round(ws * _RATIOS)
    ratio_anchors = _mkanchors(ws, hs, xc, yc)
    out = []
    for ra in ratio_anchors:
        w2, h2, xc2, yc2 = _whctrs(ra)
        out.append(_mkanchors(w2 * _SCALES, h2 * _SCALES, xc2, yc2))
    return np.concatenate(out, axis=0)


@functools.lru_cache(maxsize=None)
def _grid_anchors(H, W):
    base = _base_anchors()
    sx = np.arange(W) * STRIDE
    sy = np.arange(H) * STRIDE
    gx, gy = np.meshgrid(sx, sy)
    shifts = np.stack([gx.ravel(), gy.ravel(), gx.ravel(), gy.ravel()], axis=1)
    all_a = shifts[:, None, :].astype(np.float64) + base[None, :, :]
    return all_a.reshape(-1, 4).astype(np.float32)


def _head_kernel(x_ref, w1_ref, b1_ref, wcb_ref, bcb_ref, out_ref):
    H = W = 64
    HW = H * W
    acc = jnp.zeros((HW, 128), jnp.float32)
    for ky in range(3):
        for kx in range(3):
            xs = x_ref[0, ky:ky + H, kx:kx + W, :].reshape(HW, 128)
            acc = acc + jax.lax.dot(xs, w1_ref[ky, kx],
                                    preferred_element_type=jnp.float32)
    y = jnp.maximum(acc + b1_ref[0][None, :], 0.0)
    sd = jax.lax.dot(y, wcb_ref[...], preferred_element_type=jnp.float32)
    out_ref[0] = sd + bcb_ref[0][None, :]


def _run_head(base_feat, W1, b1, Wc, bc, Wb, bb):
    B, C, H, W = base_feat.shape
    HW = H * W
    x = jnp.transpose(base_feat, (0, 2, 3, 1))
    x = jnp.pad(x, ((0, 0), (1, 1), (1, 1), (0, 0)))
    w1 = jnp.transpose(W1, (2, 3, 1, 0))
    wc = Wc[:, :, 0, 0].T
    wb = Wb[:, :, 0, 0].T
    wcb = jnp.concatenate(
        [wc, wb, jnp.zeros((C, 128 - 18 - 36), jnp.float32)], axis=1)
    bcb = jnp.concatenate(
        [bc, bb, jnp.zeros((128 - 18 - 36,), jnp.float32)])[None, :]

    sd = pl.pallas_call(
        _head_kernel,
        grid=(B,),
        in_specs=[
            pl.BlockSpec((1, H + 2, W + 2, C), lambda b: (b, 0, 0, 0)),
            pl.BlockSpec((3, 3, C, C), lambda b: (0, 0, 0, 0)),
            pl.BlockSpec((1, C), lambda b: (0, 0)),
            pl.BlockSpec((C, 128), lambda b: (0, 0)),
            pl.BlockSpec((1, 128), lambda b: (0, 0)),
        ],
        out_specs=pl.BlockSpec((1, HW, 128), lambda b: (b, 0, 0)),
        out_shape=jax.ShapeDtypeStruct((B, HW, 128), jnp.float32),
    )(x, w1, b1[None, :], wcb, bcb)
    return sd


def _nms_jax(boxes):
    n = boxes.shape[0]
    x1, y1, x2, y2 = boxes[:, 0], boxes[:, 1], boxes[:, 2], boxes[:, 3]
    areas = (x2 - x1 + 1.0) * (y2 - y1 + 1.0)
    idxs = jnp.arange(n)

    def body(i, supp):
        xx1 = jnp.maximum(x1[i], x1)
        yy1 = jnp.maximum(y1[i], y1)
        xx2 = jnp.minimum(x2[i], x2)
        yy2 = jnp.minimum(y2[i], y2)
        w = jnp.maximum(0.0, xx2 - xx1 + 1.0)
        h = jnp.maximum(0.0, yy2 - yy1 + 1.0)
        inter = w * h
        iou = inter / (areas[i] + areas - inter)
        new = supp | ((iou > NMS_THRESH) & (idxs > i))
        return jnp.where(supp[i], supp, new)

    supp = jax.lax.fori_loop(0, n, body, jnp.zeros((n,), bool))
    cand = jnp.where(~supp, idxs, n)
    cand = jnp.sort(cand)[:POST_NMS]
    valid = (cand < n).astype(jnp.float32)
    return jnp.minimum(cand, n - 1), valid


def kernel(base_feat, im_info, gt_boxes, W1, b1, Wc, bc, Wb, bb):
    B, C, H, W = base_feat.shape
    HW = H * W
    sd = _run_head(base_feat, W1, b1, Wc, bc, Wb, bb)

    anchors = jnp.asarray(_grid_anchors(H, W))
    sc = sd[:, :, :18].reshape(B, HW, 2, A)
    probs = jax.nn.softmax(sc, axis=2)
    fg = probs[:, :, 1, :].reshape(B, HW * A)
    d = sd[:, :, 18:54].reshape(B, HW * A, 4)
    widths = anchors[:, 2] - anchors[:, 0] + 1.0
    heights = anchors[:, 3] - anchors[:, 1] + 1.0
    ctr_x = anchors[:, 0] + 0.5 * widths
    ctr_y = anchors[:, 1] + 0.5 * heights
    px = d[..., 0] * widths[None] + ctr_x[None]
    py = d[..., 1] * heights[None] + ctr_y[None]
    pw = jnp.exp(d[..., 2]) * widths[None]
    ph = jnp.exp(d[..., 3]) * heights[None]
    boxes = jnp.stack([px - 0.5 * pw, py - 0.5 * ph,
                       px + 0.5 * pw, py + 0.5 * ph], axis=-1)
    rois = []
    for i in range(B):
        bi = boxes[i]
        bx1 = jnp.clip(bi[:, 0], 0.0, im_info[i, 1] - 1.0)
        by1 = jnp.clip(bi[:, 1], 0.0, im_info[i, 0] - 1.0)
        bx2 = jnp.clip(bi[:, 2], 0.0, im_info[i, 1] - 1.0)
        by2 = jnp.clip(bi[:, 3], 0.0, im_info[i, 0] - 1.0)
        bi = jnp.stack([bx1, by1, bx2, by2], axis=1)
        ws = bi[:, 2] - bi[:, 0] + 1.0
        hs = bi[:, 3] - bi[:, 1] + 1.0
        ms = MIN_SIZE * im_info[i, 2]
        si = jnp.where((ws >= ms) & (hs >= ms), fg[i], -1.0)
        order = jnp.argsort(-si)[:PRE_NMS]
        bs = bi[order]
        keep, valid = _nms_jax(bs)
        kb = bs[keep] * valid[:, None]
        col = jnp.full((POST_NMS, 1), float(i), jnp.float32)
        rois.append(jnp.concatenate([col, kb], axis=1))
    return jnp.stack(rois, axis=0)

# --- scband reference (transcript-rebuilt; emitter-appended) ---
"""Pipeline reference for scband-rpnsingle-module-43662637532142 (READ-ONLY COPY).

The authoritative reference and input builder live on the scoring server;
editing this copy changes nothing except your own understanding.
"""

import jax, jax.numpy as jnp
import numpy as np

A = 9
STRIDE = 16
PRE_NMS = 6000
POST_NMS = 1000
NMS_THRESH = 0.7
MIN_SIZE = 16.0
SCALES = np.array([8.0, 16.0, 32.0])
RATIOS = np.array([0.5, 1.0, 2.0])


def _whctrs(anchor):
    w = anchor[2] - anchor[0] + 1.0
    h = anchor[3] - anchor[1] + 1.0
    return w, h, anchor[0] + 0.5 * (w - 1.0), anchor[1] + 0.5 * (h - 1.0)


def _mkanchors(ws, hs, xc, yc):
    return np.stack([xc - 0.5 * (ws - 1.0), yc - 0.5 * (hs - 1.0), xc + 0.5 * (ws - 1.0), yc + 0.5 * (hs - 1.0)], axis=1)


def generate_base_anchors():
    base = np.array([0.0, 0.0, STRIDE - 1.0, STRIDE - 1.0])
    w, h, xc, yc = _whctrs(base)
    size = w * h
    ws = np.round(np.sqrt(size / RATIOS))
    hs = np.round(ws * RATIOS)
    ratio_anchors = _mkanchors(ws, hs, xc, yc)
    out = []
    for ra in ratio_anchors:
        w2, h2, xc2, yc2 = _whctrs(ra)
        out.append(_mkanchors(w2 * SCALES, h2 * SCALES, xc2, yc2))
    return np.concatenate(out, axis=0)


def grid_anchors(H, W):
    base = generate_base_anchors()
    sx = np.arange(W) * STRIDE
    sy = np.arange(H) * STRIDE
    gx, gy = np.meshgrid(sx, sy)
    shifts = np.stack([gx.ravel(), gy.ravel(), gx.ravel(), gy.ravel()], axis=1)
    all_a = shifts[:, None, :].astype(np.float64) + base[None, :, :]
    return all_a.reshape(-1, 4).astype(np.float32)


def conv2d(x, w, b, pad):
    y = jax.lax.conv_general_dilated(x, w, (1, 1), [(pad, pad), (pad, pad)], dimension_numbers=('NCHW', 'OIHW', 'NCHW'))
    return y + b[None, :, None, None]


def _nms_impl(boxes):
    n = boxes.shape[0]
    x1, y1, x2, y2 = boxes[:, 0], boxes[:, 1], boxes[:, 2], boxes[:, 3]
    areas = (x2 - x1 + 1.0) * (y2 - y1 + 1.0)
    idxs = jnp.arange(n)

    def body(i, supp):
        xx1 = jnp.maximum(x1[i], x1)
        yy1 = jnp.maximum(y1[i], y1)
        xx2 = jnp.minimum(x2[i], x2)
        yy2 = jnp.minimum(y2[i], y2)
        w = jnp.maximum(0.0, xx2 - xx1 + 1.0)
        h = jnp.maximum(0.0, yy2 - yy1 + 1.0)
        inter = w * h
        iou = inter / (areas[i] + areas - inter)
        new = supp | ((iou > NMS_THRESH) & (idxs > i))
        return jnp.where(supp[i], supp, new)

    supp = jax.lax.fori_loop(0, n, body, jnp.zeros((n,), bool))
    cand = jnp.where(~supp, idxs, n)
    cand = jnp.sort(cand)[:POST_NMS]
    valid = (cand < n).astype(jnp.float32)
    return jnp.minimum(cand, n - 1), valid


@jax.custom_vjp
def nms_keep(boxes):
    return _nms_impl(boxes)


def _nms_fwd(boxes):
    return _nms_impl(boxes), boxes


def _nms_bwd(boxes, g):
    return (jnp.zeros_like(boxes),)


nms_keep.defvjp(_nms_fwd, _nms_bwd)


def _forward(base_feat, im_info, gt_boxes, W1, b1, Wc, bc, Wb, bb):
    B, C, H, W = base_feat.shape
    x = jax.nn.relu(conv2d(base_feat, W1, b1, 1))
    scores = jax.lax.stop_gradient(conv2d(x, Wc, bc, 0))
    deltas = jax.lax.stop_gradient(conv2d(x, Wb, bb, 0))
    anchors = jnp.asarray(grid_anchors(H, W))
    probs = jax.nn.softmax(scores.reshape(B, 2, A, H, W), axis=1)
    fg = probs[:, 1].transpose(0, 2, 3, 1).reshape(B, -1)
    d = deltas.transpose(0, 2, 3, 1).reshape(B, -1, 4)
    widths = anchors[:, 2] - anchors[:, 0] + 1.0
    heights = anchors[:, 3] - anchors[:, 1] + 1.0
    ctr_x = anchors[:, 0] + 0.5 * widths
    ctr_y = anchors[:, 1] + 0.5 * heights
    px = d[..., 0] * widths[None] + ctr_x[None]
    py = d[..., 1] * heights[None] + ctr_y[None]
    pw = jnp.exp(d[..., 2]) * widths[None]
    ph = jnp.exp(d[..., 3]) * heights[None]
    boxes = jnp.stack([px - 0.5 * pw, py - 0.5 * ph, px + 0.5 * pw, py + 0.5 * ph], axis=-1)
    rois = []
    for i in range(B):
        bi = boxes[i]
        bx1 = jnp.clip(bi[:, 0], 0.0, im_info[i, 1] - 1.0)
        by1 = jnp.clip(bi[:, 1], 0.0, im_info[i, 0] - 1.0)
        bx2 = jnp.clip(bi[:, 2], 0.0, im_info[i, 1] - 1.0)
        by2 = jnp.clip(bi[:, 3], 0.0, im_info[i, 0] - 1.0)
        bi = jnp.stack([bx1, by1, bx2, by2], axis=1)
        ws = bi[:, 2] - bi[:, 0] + 1.0
        hs = bi[:, 3] - bi[:, 1] + 1.0
        ms = MIN_SIZE * im_info[i, 2]
        si = jnp.where((ws >= ms) & (hs >= ms), fg[i], -1.0)
        order = jnp.argsort(-si)[:PRE_NMS]
        bs = bi[order]
        keep, valid = nms_keep(bs)
        kb = bs[keep] * valid[:, None]
        col = jnp.full((POST_NMS, 1), float(i), jnp.float32)
        rois.append(jnp.concatenate([col, kb], axis=1))
    return jnp.stack(rois, axis=0)


def setup_inputs(seed: int = 0):
    key = jax.random.key(seed)
    ks = jax.random.split(key, 6)
    return {
        'base_feat': jax.random.normal(ks[0], (2, 128, 64, 64), jnp.float32),
        'im_info': jnp.tile(jnp.array([[1024.0, 1024.0, 1.0]], jnp.float32), (2, 1)),
        'gt_boxes': jax.random.uniform(ks[1], (2, 20, 5), jnp.float32) * 100.0,
        'W1': jax.random.normal(ks[2], (128, 128, 3, 3), jnp.float32) * 0.05,
        'b1': jnp.zeros((128,), jnp.float32),
        'Wc': jax.random.normal(ks[3], (18, 128, 1, 1), jnp.float32) * 0.05,
        'bc': jnp.zeros((18,), jnp.float32),
        'Wb': jax.random.normal(ks[4], (36, 128, 1, 1), jnp.float32) * 0.05,
        'bb': jnp.zeros((36,), jnp.float32),
    }


def reference(base_feat, im_info, gt_boxes, W1, b1, Wc, bc, Wb, bb):
    return _forward(base_feat, im_info, gt_boxes, W1, b1, Wc, bc, Wb, bb)

if __name__ == "__main__":
    import jax
    _d = setup_inputs()
    print(jax.jit(kernel)(*tuple(_d.values())))

</pallas_src>

<mosaic_0001>
module attributes {stable_mosaic.version = 14 : i64} {
  func.func @_head_kernel(%arg0: i32, %arg1: memref<1x66x66x128xf32, #tpu.memory_space<vmem>>, %arg2: memref<3x3x128x128xf32, #tpu.memory_space<vmem>>, %arg3: memref<1x128xf32, #tpu.memory_space<vmem>>, %arg4: memref<128x128xf32, #tpu.memory_space<vmem>>, %arg5: memref<1x128xf32, #tpu.memory_space<vmem>>, %arg6: memref<1x4096x128xf32, #tpu.memory_space<vmem>>) attributes {dimension_semantics = [#tpu.dimension_semantics<arbitrary>], iteration_bounds = array<i64: 2>, scalar_prefetch = 0 : i64, scratch_operands = 0 : i64, tpu.core_type = #tpu.core_type<tc>, window_params = [{transform_indices = @transform_0, window_bounds = array<i64: 1, 66, 66, 128>}, {pipeline_mode = #tpu.pipeline_mode<synchronous>, transform_indices = @transform_1, window_bounds = array<i64: 3, 3, 128, 128>}, {pipeline_mode = #tpu.pipeline_mode<synchronous>, transform_indices = @transform_2, window_bounds = array<i64: 1, 128>}, {pipeline_mode = #tpu.pipeline_mode<synchronous>, transform_indices = @transform_3, window_bounds = array<i64: 128, 128>}, {pipeline_mode = #tpu.pipeline_mode<synchronous>, transform_indices = @transform_4, window_bounds = array<i64: 1, 128>}, {transform_indices = @transform_5, window_bounds = array<i64: 1, 4096, 128>}]} {
    %broadcast_in_dim3A = arith.constant 0.000000e+00 : f32
    %broadcast_in_dim3A_0 = vector.broadcast %broadcast_in_dim3A : f32 to vector<4096x128xf32>
    %get3A = arith.constant 0 : index
    %get3A_1 = arith.constant 0 : index
    %get3A_2 = arith.constant 0 : index
    %get3A_3 = arith.constant 0 : index
    %get3A_4 = vector.load %arg1[%get3A, %get3A_1, %get3A_2, %get3A_3] : memref<1x66x66x128xf32, #tpu.memory_space<vmem>>, vector<1x64x64x128xf32>
    %get3A_5 = vector.shape_cast %get3A_4 : vector<1x64x64x128xf32> to vector<64x64x128xf32>
    %reshape3A = vector.shape_cast %get3A_5 : vector<64x64x128xf32> to vector<4096x128xf32>
    %get3A_6 = arith.constant 0 : index
    %get3A_7 = arith.constant 0 : index
    %get3A_8 = arith.constant 0 : index
    %get3A_9 = arith.constant 0 : index
    %get3A_10 = vector.load %arg2[%get3A_6, %get3A_7, %get3A_8, %get3A_9] : memref<3x3x128x128xf32, #tpu.memory_space<vmem>>, vector<1x1x128x128xf32>
    %get3A_11 = vector.shape_cast %get3A_10 : vector<1x1x128x128xf32> to vector<128x128xf32>
    %dot_general3A = arith.constant dense<0.000000e+00> : vector<4096x128xf32>
    %dot_general3A_12 = tpu.matmul %reshape3A, %get3A_11, %dot_general3A {dimension_numbers = #tpu.dot_dimension_numbers<[1], [0], [0], [1], [0, 0, 1, 1], [], []>, transpose_lhs_hint = false} : vector<4096x128xf32>, vector<128x128xf32>, vector<4096x128xf32> -> vector<4096x128xf32>
    %add3A = arith.addf %broadcast_in_dim3A_0, %dot_general3A_12 : vector<4096x128xf32>
    %get3A_13 = arith.constant 0 : index
    %get3A_14 = arith.constant 0 : index
    %get3A_15 = arith.constant 1 : index
    %get3A_16 = arith.constant 0 : index
    %get3A_17 = vector.load %arg1[%get3A_13, %get3A_14, %get3A_15, %get3A_16] : memref<1x66x66x128xf32, #tpu.memory_space<vmem>>, vector<1x64x64x128xf32>
    %get3A_18 = vector.shape_cast %get3A_17 : vector<1x64x64x128xf32> to vector<64x64x128xf32>
    %reshape3A_19 = vector.shape_cast %get3A_18 : vector<64x64x128xf32> to vector<4096x128xf32>
    %get3A_20 = arith.constant 0 : index
    %get3A_21 = arith.constant 1 : index
    %get3A_22 = arith.constant 0 : index
    %get3A_23 = arith.constant 0 : index
    %get3A_24 = vector.load %arg2[%get3A_20, %get3A_21, %get3A_22, %get3A_23] : memref<3x3x128x128xf32, #tpu.memory_space<vmem>>, vector<1x1x128x128xf32>
    %get3A_25 = vector.shape_cast %get3A_24 : vector<1x1x128x128xf32> to vector<128x128xf32>
    %dot_general3A_26 = arith.constant dense<0.000000e+00> : vector<4096x128xf32>
    %dot_general3A_27 = tpu.matmul %reshape3A_19, %get3A_25, %dot_general3A_26 {dimension_numbers = #tpu.dot_dimension_numbers<[1], [0], [0], [1], [0, 0, 1, 1], [], []>, transpose_lhs_hint = false} : vector<4096x128xf32>, vector<128x128xf32>, vector<4096x128xf32> -> vector<4096x128xf32>
    %add3A_28 = arith.addf %add3A, %dot_general3A_27 : vector<4096x128xf32>
    %get3A_29 = arith.constant 0 : index
    %get3A_30 = arith.constant 0 : index
    %get3A_31 = arith.constant 2 : index
    %get3A_32 = arith.constant 0 : index
    %get3A_33 = vector.load %arg1[%get3A_29, %get3A_30, %get3A_31, %get3A_32] : memref<1x66x66x128xf32, #tpu.memory_space<vmem>>, vector<1x64x64x128xf32>
    %get3A_34 = vector.shape_cast %get3A_33 : vector<1x64x64x128xf32> to vector<64x64x128xf32>
    %reshape3A_35 = vector.shape_cast %get3A_34 : vector<64x64x128xf32> to vector<4096x128xf32>
    %get3A_36 = arith.constant 0 : index
    %get3A_37 = arith.constant 2 : index
    %get3A_38 = arith.constant 0 : index
    %get3A_39 = arith.constant 0 : index
    %get3A_40 = vector.load %arg2[%get3A_36, %get3A_37, %get3A_38, %get3A_39] : memref<3x3x128x128xf32, #tpu.memory_space<vmem>>, vector<1x1x128x128xf32>
    %get3A_41 = vector.shape_cast %get3A_40 : vector<1x1x128x128xf32> to vector<128x128xf32>
    %dot_general3A_42 = arith.constant dense<0.000000e+00> : vector<4096x128xf32>
    %dot_general3A_43 = tpu.matmul %reshape3A_35, %get3A_41, %dot_general3A_42 {dimension_numbers = #tpu.dot_dimension_numbers<[1], [0], [0], [1], [0, 0, 1, 1], [], []>, transpose_lhs_hint = false} : vector<4096x128xf32>, vector<128x128xf32>, vector<4096x128xf32> -> vector<4096x128xf32>
    %add3A_44 = arith.addf %add3A_28, %dot_general3A_43 : vector<4096x128xf32>
    %get3A_45 = arith.constant 0 : index
    %get3A_46 = arith.constant 1 : index
    %get3A_47 = arith.constant 0 : index
    %get3A_48 = arith.constant 0 : index
    %get3A_49 = vector.load %arg1[%get3A_45, %get3A_46, %get3A_47, %get3A_48] : memref<1x66x66x128xf32, #tpu.memory_space<vmem>>, vector<1x64x64x128xf32>
    %get3A_50 = vector.shape_cast %get3A_49 : vector<1x64x64x128xf32> to vector<64x64x128xf32>
    %reshape3A_51 = vector.shape_cast %get3A_50 : vector<64x64x128xf32> to vector<4096x128xf32>
    %get3A_52 = arith.constant 1 : index
    %get3A_53 = arith.constant 0 : index
    %get3A_54 = arith.constant 0 : index
    %get3A_55 = arith.constant 0 : index
    %get3A_56 = vector.load %arg2[%get3A_52, %get3A_53, %get3A_54, %get3A_55] : memref<3x3x128x128xf32, #tpu.memory_space<vmem>>, vector<1x1x128x128xf32>
    %get3A_57 = vector.shape_cast %get3A_56 : vector<1x1x128x128xf32> to vector<128x128xf32>
    %dot_general3A_58 = arith.constant dense<0.000000e+00> : vector<4096x128xf32>
    %dot_general3A_59 = tpu.matmul %reshape3A_51, %get3A_57, %dot_general3A_58 {dimension_numbers = #tpu.dot_dimension_numbers<[1], [0], [0], [1], [0, 0, 1, 1], [], []>, transpose_lhs_hint = false} : vector<4096x128xf32>, vector<128x128xf32>, vector<4096x128xf32> -> vector<4096x128xf32>
    %add3A_60 = arith.addf %add3A_44, %dot_general3A_59 : vector<4096x128xf32>
    %get3A_61 = arith.constant 0 : index
    %get3A_62 = arith.constant 1 : index
    %get3A_63 = arith.constant 1 : index
    %get3A_64 = arith.constant 0 : index
    %get3A_65 = vector.load %arg1[%get3A_61, %get3A_62, %get3A_63, %get3A_64] : memref<1x66x66x128xf32, #tpu.memory_space<vmem>>, vector<1x64x64x128xf32>
    %get3A_66 = vector.shape_cast %get3A_65 : vector<1x64x64x128xf32> to vector<64x64x128xf32>
    %reshape3A_67 = vector.shape_cast %get3A_66 : vector<64x64x128xf32> to vector<4096x128xf32>
    %get3A_68 = arith.constant 1 : index
    %get3A_69 = arith.constant 1 : index
    %get3A_70 = arith.constant 0 : index
    %get3A_71 = arith.constant 0 : index
    %get3A_72 = vector.load %arg2[%get3A_68, %get3A_69, %get3A_70, %get3A_71] : memref<3x3x128x128xf32, #tpu.memory_space<vmem>>, vector<1x1x128x128xf32>
    %get3A_73 = vector.shape_cast %get3A_72 : vector<1x1x128x128xf32> to vector<128x128xf32>
    %dot_general3A_74 = arith.constant dense<0.000000e+00> : vector<4096x128xf32>
    %dot_general3A_75 = tpu.matmul %reshape3A_67, %get3A_73, %dot_general3A_74 {dimension_numbers = #tpu.dot_dimension_numbers<[1], [0], [0], [1], [0, 0, 1, 1], [], []>, transpose_lhs_hint = false} : vector<4096x128xf32>, vector<128x128xf32>, vector<4096x128xf32> -> vector<4096x128xf32>
    %add3A_76 = arith.addf %add3A_60, %dot_general3A_75 : vector<4096x128xf32>
    %get3A_77 = arith.constant 0 : index
    %get3A_78 = arith.constant 1 : index
    %get3A_79 = arith.constant 2 : index
    %get3A_80 = arith.constant 0 : index
    %get3A_81 = vector.load %arg1[%get3A_77, %get3A_78, %get3A_79, %get3A_80] : memref<1x66x66x128xf32, #tpu.memory_space<vmem>>, vector<1x64x64x128xf32>
    %get3A_82 = vector.shape_cast %get3A_81 : vector<1x64x64x128xf32> to vector<64x64x128xf32>
    %reshape3A_83 = vector.shape_cast %get3A_82 : vector<64x64x128xf32> to vector<4096x128xf32>
    %get3A_84 = arith.constant 1 : index
    %get3A_85 = arith.constant 2 : index
    %get3A_86 = arith.constant 0 : index
    %get3A_87 = arith.constant 0 : index
    %get3A_88 = vector.load %arg2[%get3A_84, %get3A_85, %get3A_86, %get3A_87] : memref<3x3x128x128xf32, #tpu.memory_space<vmem>>, vector<1x1x128x128xf32>
    %get3A_89 = vector.shape_cast %get3A_88 : vector<1x1x128x128xf32> to vector<128x128xf32>
    %dot_general3A_90 = arith.constant dense<0.000000e+00> : vector<4096x128xf32>
    %dot_general3A_91 = tpu.matmul %reshape3A_83, %get3A_89, %dot_general3A_90 {dimension_numbers = #tpu.dot_dimension_numbers<[1], [0], [0], [1], [0, 0, 1, 1], [], []>, transpose_lhs_hint = false} : vector<4096x128xf32>, vector<128x128xf32>, vector<4096x128xf32> -> vector<4096x128xf32>
    %add3A_92 = arith.addf %add3A_76, %dot_general3A_91 : vector<4096x128xf32>
    %get3A_93 = arith.constant 0 : index
    %get3A_94 = arith.constant 2 : index
    %get3A_95 = arith.constant 0 : index
    %get3A_96 = arith.constant 0 : index
    %get3A_97 = vector.load %arg1[%get3A_93, %get3A_94, %get3A_95, %get3A_96] : memref<1x66x66x128xf32, #tpu.memory_space<vmem>>, vector<1x64x64x128xf32>
    %get3A_98 = vector.shape_cast %get3A_97 : vector<1x64x64x128xf32> to vector<64x64x128xf32>
    %reshape3A_99 = vector.shape_cast %get3A_98 : vector<64x64x128xf32> to vector<4096x128xf32>
    %get3A_100 = arith.constant 2 : index
    %get3A_101 = arith.constant 0 : index
    %get3A_102 = arith.constant 0 : index
    %get3A_103 = arith.constant 0 : index
    %get3A_104 = vector.load %arg2[%get3A_100, %get3A_101, %get3A_102, %get3A_103] : memref<3x3x128x128xf32, #tpu.memory_space<vmem>>, vector<1x1x128x128xf32>
    %get3A_105 = vector.shape_cast %get3A_104 : vector<1x1x128x128xf32> to vector<128x128xf32>
    %dot_general3A_106 = arith.constant dense<0.000000e+00> : vector<4096x128xf32>
    %dot_general3A_107 = tpu.matmul %reshape3A_99, %get3A_105, %dot_general3A_106 {dimension_numbers = #tpu.dot_dimension_numbers<[1], [0], [0], [1], [0, 0, 1, 1], [], []>, transpose_lhs_hint = false} : vector<4096x128xf32>, vector<128x128xf32>, vector<4096x128xf32> -> vector<4096x128xf32>
    %add3A_108 = arith.addf %add3A_92, %dot_general3A_107 : vector<4096x128xf32>
    %get3A_109 = arith.constant 0 : index
    %get3A_110 = arith.constant 2 : index
    %get3A_111 = arith.constant 1 : index
    %get3A_112 = arith.constant 0 : index
    %get3A_113 = vector.load %arg1[%get3A_109, %get3A_110, %get3A_111, %get3A_112] : memref<1x66x66x128xf32, #tpu.memory_space<vmem>>, vector<1x64x64x128xf32>
    %get3A_114 = vector.shape_cast %get3A_113 : vector<1x64x64x128xf32> to vector<64x64x128xf32>
    %reshape3A_115 = vector.shape_cast %get3A_114 : vector<64x64x128xf32> to vector<4096x128xf32>
    %get3A_116 = arith.constant 2 : index
    %get3A_117 = arith.constant 1 : index
    %get3A_118 = arith.constant 0 : index
    %get3A_119 = arith.constant 0 : index
    %get3A_120 = vector.load %arg2[%get3A_116, %get3A_117, %get3A_118, %get3A_119] : memref<3x3x128x128xf32, #tpu.memory_space<vmem>>, vector<1x1x128x128xf32>
    %get3A_121 = vector.shape_cast %get3A_120 : vector<1x1x128x128xf32> to vector<128x128xf32>
    %dot_general3A_122 = arith.constant dense<0.000000e+00> : vector<4096x128xf32>
    %dot_general3A_123 = tpu.matmul %reshape3A_115, %get3A_121, %dot_general3A_122 {dimension_numbers = #tpu.dot_dimension_numbers<[1], [0], [0], [1], [0, 0, 1, 1], [], []>, transpose_lhs_hint = false} : vector<4096x128xf32>, vector<128x128xf32>, vector<4096x128xf32> -> vector<4096x128xf32>
    %add3A_124 = arith.addf %add3A_108, %dot_general3A_123 : vector<4096x128xf32>
    %get3A_125 = arith.constant 0 : index
    %get3A_126 = arith.constant 2 : index
    %get3A_127 = arith.constant 2 : index
    %get3A_128 = arith.constant 0 : index
    %get3A_129 = vector.load %arg1[%get3A_125, %get3A_126, %get3A_127, %get3A_128] : memref<1x66x66x128xf32, #tpu.memory_space<vmem>>, vector<1x64x64x128xf32>
    %get3A_130 = vector.shape_cast %get3A_129 : vector<1x64x64x128xf32> to vector<64x64x128xf32>
    %reshape3A_131 = vector.shape_cast %get3A_130 : vector<64x64x128xf32> to vector<4096x128xf32>
    %get3A_132 = arith.constant 2 : index
    %get3A_133 = arith.constant 2 : index
    %get3A_134 = arith.constant 0 : index
    %get3A_135 = arith.constant 0 : index
    %get3A_136 = vector.load %arg2[%get3A_132, %get3A_133, %get3A_134, %get3A_135] : memref<3x3x128x128xf32, #tpu.memory_space<vmem>>, vector<1x1x128x128xf32>
    %get3A_137 = vector.shape_cast %get3A_136 : vector<1x1x128x128xf32> to vector<128x128xf32>
    %dot_general3A_138 = arith.constant dense<0.000000e+00> : vector<4096x128xf32>
    %dot_general3A_139 = tpu.matmul %reshape3A_131, %get3A_137, %dot_general3A_138 {dimension_numbers = #tpu.dot_dimension_numbers<[1], [0], [0], [1], [0, 0, 1, 1], [], []>, transpose_lhs_hint = false} : vector<4096x128xf32>, vector<128x128xf32>, vector<4096x128xf32> -> vector<4096x128xf32>
    %add3A_140 = arith.addf %add3A_124, %dot_general3A_139 : vector<4096x128xf32>
    %get3A_141 = arith.constant 0 : index
    %get3A_142 = arith.constant 0 : index
    %get3A_143 = vector.load %arg3[%get3A_141, %get3A_142] : memref<1x128xf32, #tpu.memory_space<vmem>>, vector<1x128xf32>
    %get3A_144 = vector.shape_cast %get3A_143 : vector<1x128xf32> to vector<128xf32>
    %broadcast_in_dim3A_145 = vector.shape_cast %get3A_144 : vector<128xf32> to vector<1x128xf32>
    %add3A_146 = vector.broadcast %broadcast_in_dim3A_145 : vector<1x128xf32> to vector<4096x128xf32>
    %add3A_147 = arith.addf %add3A_140, %add3A_146 : vector<4096x128xf32>
    %max3A = arith.constant 0.000000e+00 : f32
    %max3A_148 = vector.broadcast %max3A : f32 to vector<4096x128xf32>
    %max3A_149 = arith.maximumf %add3A_147, %max3A_148 : vector<4096x128xf32>
    %get3A_150 = arith.constant 0 : index
    %get3A_151 = arith.constant 0 : index
    %get3A_152 = vector.load %arg4[%get3A_150, %get3A_151] : memref<128x128xf32, #tpu.memory_space<vmem>>, vector<128x128xf32>
    %dot_general3A_153 = arith.constant dense<0.000000e+00> : vector<4096x128xf32>
    %dot_general3A_154 = tpu.matmul %max3A_149, %get3A_152, %dot_general3A_153 {dimension_numbers = #tpu.dot_dimension_numbers<[1], [0], [0], [1], [0, 0, 1, 1], [], []>, transpose_lhs_hint = false} : vector<4096x128xf32>, vector<128x128xf32>, vector<4096x128xf32> -> vector<4096x128xf32>
    %get3A_155 = arith.constant 0 : index
    %get3A_156 = arith.constant 0 : index
    %get3A_157 = vector.load %arg5[%get3A_155, %get3A_156] : memref<1x128xf32, #tpu.memory_space<vmem>>, vector<1x128xf32>
    %get3A_158 = vector.shape_cast %get3A_157 : vector<1x128xf32> to vector<128xf32>
    %broadcast_in_dim3A_159 = vector.shape_cast %get3A_158 : vector<128xf32> to vector<1x128xf32>
    %add3A_160 = vector.broadcast %broadcast_in_dim3A_159 : vector<1x128xf32> to vector<4096x128xf32>
    %add3A_161 = arith.addf %dot_general3A_154, %add3A_160 : vector<4096x128xf32>
    %swap3A = arith.constant 0 : index
    %swap3A_162 = arith.constant 0 : index
    %swap3A_163 = arith.constant 0 : index
    %swap3A_164 = vector.load %arg6[%swap3A, %swap3A_162, %swap3A_163] : memref<1x4096x128xf32, #tpu.memory_space<vmem>>, vector<1x4096x128xf32>
    %swap3A_165 = vector.shape_cast %swap3A_164 : vector<1x4096x128xf32> to vector<4096x128xf32>
    %swap3A_166 = vector.shape_cast %add3A_161 : vector<4096x128xf32> to vector<1x4096x128xf32>
    tpu.vector_store %arg6[%swap3A, %swap3A_162, %swap3A_163], %swap3A_166 {strides = array<i32>} : memref<1x4096x128xf32, #tpu.memory_space<vmem>>, vector<1x4096x128xf32>,
    return
  }
  func.func @transform_0(%arg0: i32) -> (i32, i32, i32, i32) {
    %c0_i32 = arith.constant 0 : i32
    %c0_i32_0 = arith.constant 0 : i32
    %c0_i32_1 = arith.constant 0 : i32
    %c0_i32_2 = arith.constant 0 : i32
    return %arg0, %c0_i32, %c0_i32_0, %c0_i32_1 : i32, i32, i32, i32
  }
  func.func @transform_1(%arg0: i32) -> (i32, i32, i32, i32) {
    %c0_i32 = arith.constant 0 : i32
    %c0_i32_0 = arith.constant 0 : i32
    %c0_i32_1 = arith.constant 0 : i32
    %c0_i32_2 = arith.constant 0 : i32
    %c0_i32_3 = arith.constant 0 : i32
    return %c0_i32, %c0_i32_0, %c0_i32_1, %c0_i32_2 : i32, i32, i32, i32
  }
  func.func @transform_2(%arg0: i32) -> (i32, i32) {
    %c0_i32 = arith.constant 0 : i32
    %c0_i32_0 = arith.constant 0 : i32
    %c0_i32_1 = arith.constant 0 : i32
    return %c0_i32, %c0_i32_0 : i32, i32
  }
  func.func @transform_3(%arg0: i32) -> (i32, i32) {
    %c0_i32 = arith.constant 0 : i32
    %c0_i32_0 = arith.constant 0 : i32
    %c0_i32_1 = arith.constant 0 : i32
    return %c0_i32, %c0_i32_0 : i32, i32
  }
  func.func @transform_4(%arg0: i32) -> (i32, i32) {
    %c0_i32 = arith.constant 0 : i32
    %c0_i32_0 = arith.constant 0 : i32
    %c0_i32_1 = arith.constant 0 : i32
    return %c0_i32, %c0_i32_0 : i32, i32
  }
  func.func @transform_5(%arg0: i32) -> (i32, i32, i32) {
    %c0_i32 = arith.constant 0 : i32
    %c0_i32_0 = arith.constant 0 : i32
    %c0_i32_1 = arith.constant 0 : i32
    return %arg0, %c0_i32, %c0_i32_0 : i32, i32, i32
  }
}

</mosaic_0001>

<sc_bundles>
// kernel: gather_offload_async_start.1
scs
__scs_entry_jumppad:
0x0: {  	(pc) =	sbr.rel $0x88, $3  }
0x1: {  	(tag) =	ssettag $0x0;
	lr =	simm.s32 $0x1  }
0x2: {  	[smem:$0x3F99] =	sst lr;
	_ =	strace $0xD0000000  }
0x3: {  	_ = 	snop  }
0x4: {  	_ = 	snop  }
0x5: {  	_ = 	snop  }
0x6: {  	_ = 	snop  }
0x7: {  	_ = 	snop  }
__scs_overlays_trampoline_lowered:
0x8: {  	[smem:$0x3FA8] =	sst s0  }
0x9: {  	[smem:$0x3FA9] =	sst s1  }
0xa: {  	[smem:$0x3FAA] =	sst s2  }
0xb: {  	[smem:$0x3FAB] =	sst s3  }
0xc: {  	[smem:$0x3FAC] =	sst s4  }
0xd: {  	[smem:$0x3FAD] =	sst s5  }
0xe: {  	[smem:$0x3FAE] =	sst s6  }
0xf: {  	[smem:$0x3FAF] =	sst s7  }
0x10: {  	[smem:$0x3FB0] =	sst s8  }
0x11: {  	[smem:$0x3FB1] =	sst s9;
	s0 =	simm.s32 @!p0 $0x0  }
0x12: {  	s1 =	sld [smem:$0x3F97];
	s0 =	simm.s32 @p0 $0x1  }
0x13: {  	[smem:$0x3FB2] =	sst s0;
	s0 =	simm.s32 @!p1 $0x0  }
0x14: {  	s2 =	sld [smem:$0x3F96];
	s0 =	simm.s32 @p1 $0x1  }
0x15: {  	[smem:$0x3FB3] =	sst s0;
	s0 =	simm.s32 @!p2 $0x0  }
0x16: {  	s3 =	sld [smem:$0x3FDB];
	s0 =	simm.s32 @p2 $0x1  }
0x17: {  	s4 =	simm.s32 $0x1BF5;
	[smem:$0x3FB5] =	sst s0  }
0x18: {  	s0 =	sld [smem:$0x3F98];
	_ =	swait.ge [sflag:s4], $0x0  }
0x19: {  	s7 =	sld [smem:$0x3F99]  }
0x1a: {  	s8 =	sadd.s32 $0xFFFFE003, lr  }
0x1b: {  	s9 =	sadd.s32 $0xFFFFFEF7, lr;
	s5 =	simm.s32 $0xFFFFFFFF;
	p2 =	slt.u32 s8, $0xFFFFF086  }
0x1c: {  	p1 =	slt.u32 s9, $0xF7A;
	s5 =	simm.s32 @!p2 $0x0  }
0x1d: {  	s5 =	simm.s32 @p1 $0x1;
	p0 =	seq.s32 s7, s2  }
0x1e: {  	s7 =	smul.u32 @!p0 $0xF7A, s2;
	p2 =	seq.s32 @!p0 s5, $0x0  }
0x1f: {  	s9 =	smul.u32 $0xF7A, s1;
	s8 =	simm.s32 @!p0 $0x1BF5;
	p2 =	por !p2, p0  }
0x20: {  	[sflag:s8] =	ssyncset.s32 @!p0 $0xFFFFF086;
	s6 =	sadd.s32 @!p0 s3, s7;
	s7 =	simm.s32 @!p0 $0x108  }
0x21: {  	s3 =	sadd.s32 s3, s9;
	s6 =	sadd.s32 @!p0 $0x88, s6;
	s7 =	simm.s32 @p2 $0x1082  }
0x22: {  	[simem:s7], [sflag:s8] =	dma.local @!p0 [hbm:s6], $0xF7A  }
0x23: {  	s9 =	sor.u32 $0xD0000000, s2;
	s6 =	simm.s32 $0x108;
	_ =	swait.ge @!p0 [sflag:s8], $0x0  }
0x24: {  	s3 =	sadd.s32 $0x88, s3;
	s6 =	simm.s32 @!p1 $0x1082;
	[sflag:s4] =	ssyncset.s32 $0xFFFFF086  }
0x25: {  	[simem:s6], [sflag:s4] =	dma.local [hbm:s3], $0xF7A  }
0x26: {  	[smem:$0x3F99] =	sst s1;
	(tag) =	ssettag s2;
	_ =	strace s9  }
0x27: {  	s1 =	sld [smem:$0x3FA9]  }
0x28: {  	s2 =	sld [smem:$0x3FAA]  }
0x29: {  	s4 =	sld [smem:$0x3FAC]  }
0x2a: {  	p0 =	seq.s32 s5, $0x0;
	s5 =	sld [smem:$0x3FAD]  }
0x2b: {  	s6 =	sld [smem:$0x3FAE]  }
0x2c: {  	s7 =	sld [smem:$0x3FAF]  }
0x2d: {  	s3 =	simm.s32 $0x108;
	s8 =	sld [smem:$0x3FB0]  }
0x2e: {  	s3 =	simm.s32 @!p0 $0x1082;
	s9 =	sld [smem:$0x3FB1]  }
0x2f: {  	lr =	sadd.s32 s0, s3;
	s0 =	sld [smem:$0x3FA8]  }
0x30: {  	s3 =	sld [smem:$0x3FAB]  }
0x31: {  	[smem:$0x3FB4] =	sst s10  }
0x32: {  	s10 =	sld [smem:$0x3FB2];
	_ =	sdelay $0x3  }
0x33: {  	p0 =	seq.s32 s10, $0x1;
	s10 =	sld [smem:$0x3FB4];
	_ =	sdelay $0x3  }
0x34: {  	[smem:$0x3FB4] =	sst s10  }
0x35: {  	s10 =	sld [smem:$0x3FB3];
	_ =	sdelay $0x3  }
0x36: {  	p1 =	seq.s32 s10, $0x1;
	s10 =	sld [smem:$0x3FB4];
	_ =	sdelay $0x3  }
0x37: {  	[smem:$0x3FB4] =	sst s10  }
0x38: {  	s10 =	sld [smem:$0x3FB5]  }
0x39: {  	_ = 	snop;
	(pc) =	sbr.ind lr, $3  }
0x3a: {  	_ = 	snop  }
0x3b: {  	_ = 	snop  }
0x3c: {  	p2 =	seq.s32 s10, $0x1;
	s10 =	sld [smem:$0x3FB4]  }
0x3d: {  	_ =	shalt  }
0x3e: {  	_ =	shalt  }
0x3f: {  	_ =	shalt  }
0x40: {  	_ =	shalt  }
0x41: {  	_ =	shalt  }
0x42: {  	_ =	shalt  }
0x43: {  	_ =	shalt  }
0x44: {  	_ =	shalt  }
0x45: {  	_ =	shalt  }
0x46: {  	_ =	shalt  }
0x47: {  	_ =	shalt  }
0x48: {  	_ =	shalt  }
0x49: {  	_ =	shalt  }
0x4a: {  	_ =	shalt  }
0x4b: {  	_ =	shalt  }
0x4c: {  	_ =	shalt  }
0x4d: {  	_ =	shalt  }
0x4e: {  	_ =	shalt  }
0x4f: {  	_ =	shalt  }
0x50: {  	_ =	shalt  }
0x51: {  	_ =	shalt  }
0x52: {  	_ =	shalt  }
0x53: {  	_ =	shalt  }
0x54: {  	_ =	shalt  }
0x55: {  	_ =	shalt  }
0x56: {  	_ =	shalt  }
0x57: {  	_ =	shalt  }
0x58: {  	_ =	shalt  }
0x59: {  	_ =	shalt  }
0x5a: {  	_ =	shalt  }
0x5b: {  	_ =	shalt  }
0x5c: {  	_ =	shalt  }
0x5d: {  	_ =	shalt  }
0x5e: {  	_ =	shalt  }
0x5f: {  	_ =	shalt  }
0x60: {  	_ =	shalt  }
0x61: {  	_ =	shalt  }
0x62: {  	_ =	shalt  }
0x63: {  	_ =	shalt  }
0x64: {  	_ =	shalt  }
0x65: {  	_ =	shalt  }
0x66: {  	_ =	shalt  }
0x67: {  	_ =	shalt  }
0x68: {  	_ =	shalt  }
0x69: {  	_ =	shalt  }
0x6a: {  	_ =	shalt  }
0x6b: {  	_ =	shalt  }
0x6c: {  	_ =	shalt  }
0x6d: {  	_ =	shalt  }
0x6e: {  	_ =	shalt  }
0x6f: {  	_ =	shalt  }
0x70: {  	_ =	shalt  }
0x71: {  	_ =	shalt  }
0x72: {  	_ =	shalt  }
0x73: {  	_ =	shalt  }
0x74: {  	_ =	shalt  }
0x75: {  	_ =	shalt  }
0x76: {  	_ =	shalt  }
0x77: {  	_ =	shalt  }
0x78: {  	_ =	shalt  }
0x79: {  	_ =	shalt  }
0x7a: {  	_ =	shalt  }
0x7b: {  	_ =	shalt  }
0x7c: {  	_ =	shalt  }
0x7d: {  	_ =	shalt  }
0x7e: {  	_ =	shalt  }
0x7f: {  	_ =	shalt  }
0x80: {  	_ =	shalt  }
0x81: {  	_ =	shalt  }
0x82: {  	_ =	shalt  }
0x83: {  	_ =	shalt  }
0x84: {  	_ =	shalt  }
0x85: {  	_ =	shalt  }
0x86: {  	_ =	shalt  }
0x87: {  	_ =	shalt  }
.Lfunc_end0:
.L_simem_size_0:
called_computation.1_lowered:
.L_overlay_start_0:
0x88: {  	s0 =	sld [smem:$0x3FD9]  }
0x89: {  	s1 =	sld [smem:$0x3FFE];
	_ =	sdelay $0x3  }
0x8a: {  	s0 =	sadd.s32 s1, s0  }
0x8b: {  	[smem:$0x3FC0] =	sst s0  }
0x8c: {  	_ = 	snop  }
0x8d: {  	s0 =	sld [smem:$0x3FD0];
	(tm) =	ssettm $0x1  }
0x8e: {  	s16 =	sld [smem:$0x3FFB];
	_ =	sdelay $0x3  }
0x8f: {  	_ =	strace s16  }
0x90: {  	s1 =	sld [smem:$0x3FFC];
	_ =	sdelay $0x3  }
0x91: {  	_ =	strace s1  }
0x92: {  	s1 =	sld [smem:$0x3FFD];
	_ =	sdelay $0x3  }
0x93: {  	_ =	strace s1  }
0x94: {  	_ =	strace $0x8FFFFFFF  }
0x95: {  	s17 =	sld [smem:$0x3FDB];
	_ =	sdelay $0x1  }
0x96: {  	s2 =	simm.s32 $_scs_section_size  }
0x97: {  	s3 =	simm.s32 $_size__tile_overlayer_lowered;
	s4 =	simm.s32 $_tile_overlayer_lowered  }
0x98: {  	s20 =	simm.s32 $0x1BFF;
	s19 =	sshll.u32 s4, $0x1;
	s1 =	sadd.s32 s2, s17  }
0x99: {  	s5 =	simm.s32 $0x0;
	s18 =	sshll.u32 s3, $0x1;
	s3 =	sadd.s32 s19, s1  }
0x9a: {  	[timem:s5], [sflag:s20] =	dma.local [hbm:s3], s18  }
0x9b: {  	_ =	swait.ge [sflag:s20], s18  }
0x9c: {  	s2 =	ssub.s32 $0x0, s18;
	[sflag:s20] =	ssyncset.done $0x0  }
0x9d: {  	[sflag:s20] =	ssyncadd.s32 s2;
	_ =	sdelay $0x1  }
0x9e: {  	s21 =	simm.s32 $0x1B8B  }
0x9f: {  	_ =	swait.ge [sflag:s21], $0x1  }
0xa0: {  	[sflag:s21] =	ssyncset.done $0x0  }
0xa1: {  	s23 =	simm.s32 $0x1B8E;
	s22 =	sld [smem:$0x3FFE];
	[sflag:s21] =	ssyncadd.s32 $0xFFFFFFFF  }
0xa2: {  	s24 =	simm.s32 $execute0_lowered;
	[smem:$0x3FD2] =	sst s23  }
0xa3: {  	s3 =	sshll.u32 s24, $0x1;
	_ =	strace $0x80000049;
	[dreg:$0x1] =	wrdreg $0xFFFFFFFF  }
0xa4: {  	s25 =	simm.s32 $_size_execute0_lowered;
	s1 =	sadd.s32 s1, s3;
	[dreg:$0x0] =	wrdreg $0x0  }
0xa5: {  	s3 =	sshll.u32 s25, $0x1;
	[dreg:$0x2] =	wrdreg s1  }
0xa6: {  	[dreg:$0x3] =	wrdreg s3  }
0xa7: {  	[dreg:$0x4] =	wrdreg $0xC0  }
0xa8: {  	_ =	task [dreg:s5], $0x5FFFF  }
0xa9: {  	[dreg:$0x1] =	wrdreg $0xFFFFFFFF  }
0xaa: {  	[dreg:$0x0] =	wrdreg $0x60  }
0xab: {  	[dreg:$0x2] =	wrdreg s22  }
0xac: {  	[dreg:$0x3] =	wrdreg s0  }
0xad: {  	[dreg:$0x4] =	wrdreg $0x9  }
0xae: {  	_ =	task.clear_ibuf [dreg:s5], $0x5FFFF;
	_ =	strace $0x90000049  }
0xaf: {  	s26 =	simm.s32 $0x9;
	_ =	strace $0x8000004B  }
0xb0: {  	_ =	swait.ge [sflag:s26], $0x1  }
0xb1: {  	[sflag:s26] =	ssyncadd.s32 $0xFFFFFFFF  }
0xb2: {  	_ =	strace $0x9000004B  }
0xb3: {  	_ =	sfence  }
0xb4: {  	s28 =	sld [smem:$0x0];
	_ =	sdelay $0x1  }
0xb5: {  	s29 =	srdreg.scid  }
0xb6: {  	s30 =	sshll.u32 s29, $0xD;
	s31 =	sshrl.u32 s29, $0x2  }
0xb7: {  	s2 =	sand.u32 $0x4000, s30;
	s1 =	sand.u32 $0x1, s29;
	s0 =	sadd.s32 s31, s28  }
0xb8: {  	s1 =	sor.u32 s2, s1;
	s0 =	sshll.u32 s0, $0x11  }
0xb9: {  	s0 =	sor.u32 s0, s1  }
0xba: {  	s0 =	sadd.s32 $0x8F2B, s0  }
0xbb: {  	[sflag:s0] =	ssyncadd.remote.s32 $0x1  }
0xbc: {  	_ =	sfence.sel $0xFFFF  }
0xbd: {  	[dreg:$0x0] =	wrdreg $0xFFFFFFFF;
	(pc) =	sbr.abs _section_cstart, $3  }
0xbe: {  	[dreg:$0x1] =	wrdreg $0xFFFFFFFF  }
0xbf: {  	_ =	task.clear_ibuf [dreg:s5], $0x2FFFF;
	_ =	strace $0x9FFFFFFF  }
0xc0: {  	(tm) =	ssettm $0x7FFFFFFF  }
0xc1: {  	_ =	shalt  }
tec
execute0_lowered:
.L_overlay_start_1:
0x0: {  	(tag) =	ssettag $0x1  }
0x1: {  	s0 =	stileid.u32  }
0x2: {  	s1 =	smin.u32 s0, $0xE  }
0x3: {  	s1 =	sadd.s32 s0, s1  }
0x4: {  	s2 =	simm.s32 $0x190;
	p0 =	slt.u32 s0, $0xE;
	s1 =	smul.u32 $0xC8, s1  }
0x5: {  	s2 =	simm.s32 @!p0 $0xC8  }
0x6: {  	s2 =	sadd.s32 s2, s1  }
0x7: {  	s3 =	smin.u32 s2, $0x1770  }
0x8: {  	s7 =	ssub.s32 s3, s1  }
0x9: {  	p0 =	sgt.s32 s7, $0x0  }
0xa: {  	s7 =	simm.s32 @!p0 $0x0  }
0xb: {  	s31 =	sand.u32 $0xFFF8, s7  }
0xc: {  	s2 =	sshrl.u32 s31, $0x3  }
0xd: {  	s4 =	rddreg [dreg:$0x0];
	s2 =	smul.u32 $0x147B, s2  }
0xe: {  	s5 =	rddreg [dreg:$0x1]  }
0xf: {  	s6 =	simm.s32 $0x1;
	s10 =	simm.s32 $0x3;
	s8 =	sshrl.u32 s2, $0x11  }
0x10: {  	s13 =	simm.s32 $0x0;
	s12 =	simm.s32 $0x0;
	s9 =	smul.u32 $0xC8, s8  }
.Ltmp0:
0x11: {  	s11 =	smov.u32 s1;
	s2 =	rddreg [dreg:$0x2];
	(pc) =	sbr.rel .LBB2_1-.Ltmp0, $4  }
0x12: {  	_ =	strace $0x8000004A;
	p0 =	sne.s32 s7, s9;
	s9 =	simm.s32 $0x1  }
0x13: {  	[sflag:s6] =	ssyncpa.u1 $0x0;
	s7 =	simm.s32 $0x2;
	s9 =	simm.s32 @!p0 $0x0  }
0x14: {  	[sflag:s7] =	ssyncpa.u1 $0x0;
	p0 =	por $0x0, $0x0;
	s8 =	sadd.s32 s8, s9  }
0x15: {  	vm0 =	vmmov $0xff;
	vm1 =	vcmask $0x3F20;
	s9 =	sadd.s32 $0xA8000, s4;
	[sflag:s10] =	ssyncpa.u1 $0x0;
	s10 =	sadd.s32 $0x1, s8  }
.LBB2_6:
0x16: {  	[hbm:s17] =	stream.linear.scatter [tilespmem:s14], [sflag:$0x3], $0x400, $0x38;
	[tilespmem:$0xC990] =	vst v63  }
.LBB2_7:
0x17: {  	s13 =	sadd.s32 $0xC8, s11  }
0x18: {  	s15 =	smov.u32 s1;
	p2 =	slt.s32 s13, s3  }
0x19: {  	s15 =	smov.u32 @p2 s13;
	p2 =	sne.s32 s12, s10  }
.Ltmp1:
0x1a: {  	p1 =	slt.u32 s12, $0x2;
	(pc) =	sbr.rel @!p2 .LBB2_8-.Ltmp1, $4  }
0x1b: {  	s14 =	simm.s32 @!p1 $0x3  }
0x1c: {  	s16 =	sadd.s32 $0x1, s12;
	_ =	swait.ge @!p1 [sflag:s14], $0x6400  }
0x1d: {  	p0 =	por !p0, !p0;
	s13 =	smov.u32 s11;
	[sflag:s14] =	ssyncset.done @!p1 $0x0  }
0x1e: {  	s12 =	smov.u32 s16;
	s11 =	smov.u32 s15;
	[sflag:s14] =	ssyncadd.s32 @!p1 $0xFFFF9C00  }
.LBB2_1:
0x1f: {  	p1 =	sge.u32 s12, s8  }
0x20: {  	s14 =	sxor.u32 @!p1 $0xFFFFFFFF, s12  }
0x21: {  	s14 =	sand.u32 @!p1 $0x1, s14  }
0x22: {  	s14 =	smul.u32 @!p1 $0x320, s14  }
0x23: {  	s31 =	sadd.s32 $0xFFFFFFFF, s12;
	s15 =	sshrl.u32 @!p1 s11, $0x3  }
0x24: {  	s16 =	sand.u32 @!p1 $0x7, s11;
	s15 =	sadd.s32 @!p1 s5, s15;
	s14 =	sshrl.u32 @!p1 s14, $0x2  }
0x25: {  	[tilespmem:s14], [sflag:$0x2] =	stream.linear.gather @!p1 [hbm4b:s15+s16], $0xC8, $0x38;
	[tilespmem:$0xC990] =	vst v63  }
0x26: {  	p1 =	sge.u32 s31, s8  }
.Ltmp2:
0x27: {  	_ = 	snop;
	(pc) =	sbr.rel @p1 .LBB2_7-.Ltmp2, $1  }
0x28: {  	_ =	sdelay $0x3  }
0x29: {  	s14 =	simm.s32 $0x1  }
0x2a: {  	s14 =	simm.s32 @!p0 $0x0  }
0x2b: {  	s15 =	smul.u32 $0x320, s14  }
0x2c: {  	_ =	swait.ge [sflag:s7], $0xC8  }
0x2d: {  	[sflag:s7] =	ssyncset.done $0x0;
	s16 =	sshrl.u32 s15, $0x2  }
0x2e: {  	[sflag:s7] =	ssyncadd.s32 $0xFFFFFF38;
	s15 =	sadd.s32 $0x0, s16  }
0x2f: {  	v0 =	vld.msk [tilespmem:s15+$0x0 ss:$0x1], $0xffff;
	_ =	sdelay $0x4  }
0x30: {  	vm2 =	vgt.s32 v0, $0x0  }
0x31: {  	v0 =	vnsel vm2, $0x0, v0  }
0x32: {  	v0 =	vmin.u32 v0, $0x8FFF  }
0x33: {  	v0 =	vshll.u32 v0, $0x4  }
0x34: {  	s14 =	smul.u32 $0x19000, s14  }
0x35: {  	s31 =	sand.u32 $0x1, s12  }
0x36: {  	s17 =	smul.u32 $0x320, s31;
	s14 =	sshrl.u32 s14, $0x2  }
0x37: {  	s19 =	smul.u32 $0x19000, s31;
	s14 =	sor.u32 $0x190, s14  }
0x38: {  	[tilespmem:s14], [sflag:$0x1] =	stream.indirect_vreg.gather [hbm:s9], $0x80, v0, vm0, $0x38;
	[tilespmem:$0xC990] =	vst v63  }
0x39: {  	s18 =	sshrl.u32 s17, $0x2;
	s20 =	sadd.s32 $0x10, s16;
	s15 =	sadd.s32 $0x400, s14  }
0x3a: {  	[tilespmem:s15], [sflag:$0x1] =	stream.indirect_vreg.gather [hbm:s9], $0x80, v0, vm1, $0x38;
	[tilespmem:$0xC990] =	vst v63  }
0x3b: {  	s17 =	sshrl.u32 s19, $0x2;
	s19 =	smov.u32 s14;
	v0 =	vld.msk [tilespmem:s20+$0x0 ss:$0x1], $0xffff;
	s20 =	simm.s32 $0x80  }
.LBB2_3:
0x3c: {  	p1 =	sne.s32 s20, $0x2C0;
	_ =	sdelay $0x4  }
0x3d: {  	vm2 =	vgt.s32 v0, $0x0  }
0x3e: {  	v0 =	vnsel vm2, $0x0, v0  }
0x3f: {  	v0 =	vmin.u32 v0, $0x8FFF  }
0x40: {  	v0 =	vshll.u32 v0, $0x4;
	_ =	sdelay $0x3  }
.Ltmp3:
0x41: {  	s21 =	sshra.s32 s20, $0x2;
	s19 =	sadd.s32 $0x800, s19;
	(pc) =	sbr.rel @p1 .LBB2_3-.Ltmp3, $4  }
0x42: {  	[tilespmem:s19], [sflag:$0x1] =	stream.indirect_vreg.gather [hbm:s9], $0x80, v0, vm0, $0x38;
	[tilespmem:$0xC990] =	vst v63  }
0x43: {  	s21 =	sadd.s32 s21, s16;
	s22 =	sadd.s32 $0x400, s19  }
0x44: {  	[tilespmem:s22], [sflag:$0x1] =	stream.indirect_vreg.gather [hbm:s9], $0x80, v0, vm1, $0x38;
	[tilespmem:$0xC990] =	vst v63  }
0x45: {  	s20 =	sadd.s32 $0x40, s20;
	v0 =	vld.msk [tilespmem:s21+$0x0 ss:$0x1], $0xffff  }
0x46: {  	_ =	sdelay $0x3  }
0x47: {  	vm2 =	vgt.s32 v0, $0x0  }
0x48: {  	v0 =	vnsel vm2, $0x0, v0  }
0x49: {  	v0 =	vmin.u32 v0, $0x8FFF  }
0x4a: {  	v0 =	vshll.u32 v0, $0x4;
	_ =	sdelay $0x3  }
0x4b: {  	s16 =	sadd.s32 $0x800, s19  }
0x4c: {  	[tilespmem:s16], [sflag:$0x1] =	stream.indirect_vreg.gather [hbm:s9], $0x80, v0, vm0, $0x38;
	[tilespmem:$0xC990] =	vst v63  }
0x4d: {  	s16 =	sadd.s32 $0x400, s16  }
0x4e: {  	[tilespmem:s16], [sflag:$0x1] =	stream.indirect_vreg.gather [hbm:s9], $0x80, v0, vm1, $0x38;
	[tilespmem:$0xC990] =	vst v63  }
0x4f: {  	v0 =	vld.msk [tilespmem:s18+$0xC0 ss:$0x1], $0xff;
	_ =	sdelay $0x4  }
0x50: {  	vm2 =	vgt.s32 v0, $0x0  }
0x51: {  	v0 =	vnsel vm2, $0x0, v0  }
0x52: {  	v0 =	vmin.u32 v0, $0x8FFF  }
0x53: {  	v0 =	vshll.u32 v0, $0x4;
	_ =	sdelay $0x3  }
0x54: {  	s31 =	sadd.s32 $0x6190, s17  }
0x55: {  	[tilespmem:s31], [sflag:$0x1] =	stream.indirect_vreg.gather [hbm:s9], $0x80, v0, vm0, $0x38;
	[tilespmem:$0xC990] =	vst v63  }
0x56: {  	s13 =	sshll.u32 s13, $0x4;
	_ =	swait.ge [sflag:s6], $0x6400  }
0x57: {  	s13 =	sadd.s32 s13, s4;
	[sflag:s6] =	ssyncset.done $0x0  }
0x58: {  	s17 =	sadd.s32 $0x0, s13;
	s16 =	simm.s32 $0x80;
	[sflag:s6] =	ssyncadd.s32 $0xFFFF9C00  }
.LBB2_5:
0x59: {  	[hbm:s17] =	stream.linear.scatter [tilespmem:s14], [sflag:$0x3], $0x400, $0x38;
	[tilespmem:$0xC990] =	vst v63  }
0x5a: {  	s17 =	smov.u32 s16;
	s14 =	smov.u32 s15;
	p1 =	sne.s32 s16, $0xC00  }
.Ltmp4:
0x5b: {  	s16 =	sadd.s32 $0x80, s16;
	(pc) =	sbr.rel @p1 .LBB2_5-.Ltmp4, $2  }
0x5c: {  	_ =	sdelay $0x2  }
0x5d: {  	s15 =	sadd.s32 $0x400, s15;
	s17 =	sadd.s32 s17, s13  }
.Ltmp5:
0x5e: {  	_ = 	snop;
	(pc) =	sbr.rel .LBB2_6-.Ltmp5, $1  }
0x5f: {  	_ =	sdelay $0x3  }
.LBB2_8:
0x60: {  	_ =	sfence.sel $0x180000  }
0x61: {  	s1 =	simm.s32 $0x2;
	[bflag:$0x0] =	sbarrier.arrive $0xFFFF  }
0x62: {  	s30 =	simm.s32 $0x3;
	[sflag:s1] =	ssyncpa.u1 $0x1  }
0x63: {  	s31 =	simm.s32 $0x1;
	[sflag:s30] =	ssyncpa.u1 $0x1  }
0x64: {  	[sflag:s31] =	ssyncpa.u1 $0x1  }
0x65: {  	p0 =	sne.s32 s0, $0x0;
	_ =	strace $0x9000004A  }
0x66: {  	s0 =	sadd.s32 @!p0 $0x100000, s2;
	[bflag:$0x2] =	sbarrier.arrive $0xFFFF  }
0x67: {  	[sflag:s0] =	ssyncadd.tile.s32 @!p0 $0x1;
	_ =	shalt  }
.Lfunc_end2:
_tile_overlayer_lowered:
.L_overlay_start_2:
0x68: {  	(tag) =	ssettag $0x2  }
0x69: {  	s0 =	rddreg [dreg:$0x0];
	s2 =	stileid.u32  }
0x6a: {  	s1 =	rddreg [dreg:$0x1];
	p0 =	sne.s32 s2, $0x0  }
0x6b: {  	s3 =	rddreg [dreg:$0x2];
	[bflag:$0x3] =	sbarrier.arrive $0xFFFF;
	s2 =	simm.s32 @!p0 $0x1C01  }
0x6c: {  	[timem:s3], [sflag:s2] =	dma.local @!p0 [hbm:s0], s1  }
0x6d: {  	s0 =	simm.s32 @!p0 $0x1  }
0x6e: {  	_ =	swait.ge @!p0 [sflag:s0], s1  }
0x6f: {  	s1 =	ssub.s32 @!p0 $0x0, s1;
	[sflag:s0] =	ssyncset.done @!p0 $0x0  }
0x70: {  	[sflag:s0] =	ssyncadd.s32 @!p0 s1  }
0x71: {  	[bflag:$0x3] =	sbarrier.arrive $0xFFFF  }
0x72: {  	_ =	shalt  }

// kernel: gather_offload_async_start
scs
__scs_entry_jumppad:
0x0: {  	(pc) =	sbr.rel $0x88, $3  }
0x1: {  	(tag) =	ssettag $0x0;
	lr =	simm.s32 $0x1  }
0x2: {  	[smem:$0x3F99] =	sst lr;
	_ =	strace $0xD0000000  }
0x3: {  	_ = 	snop  }
0x4: {  	_ = 	snop  }
0x5: {  	_ = 	snop  }
0x6: {  	_ = 	snop  }
0x7: {  	_ = 	snop  }
__scs_overlays_trampoline_lowered:
0x8: {  	[smem:$0x3FA8] =	sst s0  }
0x9: {  	[smem:$0x3FA9] =	sst s1  }
0xa: {  	[smem:$0x3FAA] =	sst s2  }
0xb: {  	[smem:$0x3FAB] =	sst s3  }
0xc: {  	[smem:$0x3FAC] =	sst s4  }
0xd: {  	[smem:$0x3FAD] =	sst s5  }
0xe: {  	[smem:$0x3FAE] =	sst s6  }
0xf: {  	[smem:$0x3FAF] =	sst s7  }
0x10: {  	[smem:$0x3FB0] =	sst s8  }
0x11: {  	[smem:$0x3FB1] =	sst s9;
	s0 =	simm.s32 @!p0 $0x0  }
0x12: {  	s1 =	sld [smem:$0x3F97];
	s0 =	simm.s32 @p0 $0x1  }
0x13: {  	[smem:$0x3FB2] =	sst s0;
	s0 =	simm.s32 @!p1 $0x0  }
0x14: {  	s2 =	sld [smem:$0x3F96];
	s0 =	simm.s32 @p1 $0x1  }
0x15: {  	[smem:$0x3FB3] =	sst s0;
	s0 =	simm.s32 @!p2 $0x0  }
0x16: {  	s3 =	sld [smem:$0x3FDB];
	s0 =	simm.s32 @p2 $0x1  }
0x17: {  	s4 =	simm.s32 $0x1BF5;
	[smem:$0x3FB5] =	sst s0  }
0x18: {  	s0 =	sld [smem:$0x3F98];
	_ =	swait.ge [sflag:s4], $0x0  }
0x19: {  	s7 =	sld [smem:$0x3F99]  }
0x1a: {  	s8 =	sadd.s32 $0xFFFFE003, lr  }
0x1b: {  	s9 =	sadd.s32 $0xFFFFFEF7, lr;
	s5 =	simm.s32 $0xFFFFFFFF;
	p2 =	slt.u32 s8, $0xFFFFF086  }
0x1c: {  	p1 =	slt.u32 s9, $0xF7A;
	s5 =	simm.s32 @!p2 $0x0  }
0x1d: {  	s5 =	simm.s32 @p1 $0x1;
	p0 =	seq.s32 s7, s2  }
0x1e: {  	s7 =	smul.u32 @!p0 $0xF7A, s2;
	p2 =	seq.s32 @!p0 s5, $0x0  }
0x1f: {  	s9 =	smul.u32 $0xF7A, s1;
	s8 =	simm.s32 @!p0 $0x1BF5;
	p2 =	por !p2, p0  }
0x20: {  	[sflag:s8] =	ssyncset.s32 @!p0 $0xFFFFF086;
	s6 =	sadd.s32 @!p0 s3, s7;
	s7 =	simm.s32 @!p0 $0x108  }
0x21: {  	s3 =	sadd.s32 s3, s9;
	s6 =	sadd.s32 @!p0 $0x88, s6;
	s7 =	simm.s32 @p2 $0x1082  }
0x22: {  	[simem:s7], [sflag:s8] =	dma.local @!p0 [hbm:s6], $0xF7A  }
0x23: {  	s9 =	sor.u32 $0xD0000000, s2;
	s6 =	simm.s32 $0x108;
	_ =	swait.ge @!p0 [sflag:s8], $0x0  }
0x24: {  	s3 =	sadd.s32 $0x88, s3;
	s6 =	simm.s32 @!p1 $0x1082;
	[sflag:s4] =	ssyncset.s32 $0xFFFFF086  }
0x25: {  	[simem:s6], [sflag:s4] =	dma.local [hbm:s3], $0xF7A  }
0x26: {  	[smem:$0x3F99] =	sst s1;
	(tag) =	ssettag s2;
	_ =	strace s9  }
0x27: {  	s1 =	sld [smem:$0x3FA9]  }
0x28: {  	s2 =	sld [smem:$0x3FAA]  }
0x29: {  	s4 =	sld [smem:$0x3FAC]  }
0x2a: {  	p0 =	seq.s32 s5, $0x0;
	s5 =	sld [smem:$0x3FAD]  }
0x2b: {  	s6 =	sld [smem:$0x3FAE]  }
0x2c: {  	s7 =	sld [smem:$0x3FAF]  }
0x2d: {  	s3 =	simm.s32 $0x108;
	s8 =	sld [smem:$0x3FB0]  }
0x2e: {  	s3 =	simm.s32 @!p0 $0x1082;
	s9 =	sld [smem:$0x3FB1]  }
0x2f: {  	lr =	sadd.s32 s0, s3;
	s0 =	sld [smem:$0x3FA8]  }
0x30: {  	s3 =	sld [smem:$0x3FAB]  }
0x31: {  	[smem:$0x3FB4] =	sst s10  }
0x32: {  	s10 =	sld [smem:$0x3FB2];
	_ =	sdelay $0x3  }
0x33: {  	p0 =	seq.s32 s10, $0x1;
	s10 =	sld [smem:$0x3FB4];
	_ =	sdelay $0x3  }
0x34: {  	[smem:$0x3FB4] =	sst s10  }
0x35: {  	s10 =	sld [smem:$0x3FB3];
	_ =	sdelay $0x3  }
0x36: {  	p1 =	seq.s32 s10, $0x1;
	s10 =	sld [smem:$0x3FB4];
	_ =	sdelay $0x3  }
0x37: {  	[smem:$0x3FB4] =	sst s10  }
0x38: {  	s10 =	sld [smem:$0x3FB5]  }
0x39: {  	_ = 	snop;
	(pc) =	sbr.ind lr, $3  }
0x3a: {  	_ = 	snop  }
0x3b: {  	_ = 	snop  }
0x3c: {  	p2 =	seq.s32 s10, $0x1;
	s10 =	sld [smem:$0x3FB4]  }
0x3d: {  	_ =	shalt  }
0x3e: {  	_ =	shalt  }
0x3f: {  	_ =	shalt  }
0x40: {  	_ =	shalt  }
0x41: {  	_ =	shalt  }
0x42: {  	_ =	shalt  }
0x43: {  	_ =	shalt  }
0x44: {  	_ =	shalt  }
0x45: {  	_ =	shalt  }
0x46: {  	_ =	shalt  }
0x47: {  	_ =	shalt  }
0x48: {  	_ =	shalt  }
0x49: {  	_ =	shalt  }
0x4a: {  	_ =	shalt  }
0x4b: {  	_ =	shalt  }
0x4c: {  	_ =	shalt  }
0x4d: {  	_ =	shalt  }
0x4e: {  	_ =	shalt  }
0x4f: {  	_ =	shalt  }
0x50: {  	_ =	shalt  }
0x51: {  	_ =	shalt  }
0x52: {  	_ =	shalt  }
0x53: {  	_ =	shalt  }
0x54: {  	_ =	shalt  }
0x55: {  	_ =	shalt  }
0x56: {  	_ =	shalt  }
0x57: {  	_ =	shalt  }
0x58: {  	_ =	shalt  }
0x59: {  	_ =	shalt  }
0x5a: {  	_ =	shalt  }
0x5b: {  	_ =	shalt  }
0x5c: {  	_ =	shalt  }
0x5d: {  	_ =	shalt  }
0x5e: {  	_ =	shalt  }
0x5f: {  	_ =	shalt  }
0x60: {  	_ =	shalt  }
0x61: {  	_ =	shalt  }
0x62: {  	_ =	shalt  }
0x63: {  	_ =	shalt  }
0x64: {  	_ =	shalt  }
0x65: {  	_ =	shalt  }
0x66: {  	_ =	shalt  }
0x67: {  	_ =	shalt  }
0x68: {  	_ =	shalt  }
0x69: {  	_ =	shalt  }
0x6a: {  	_ =	shalt  }
0x6b: {  	_ =	shalt  }
0x6c: {  	_ =	shalt  }
0x6d: {  	_ =	shalt  }
0x6e: {  	_ =	shalt  }
0x6f: {  	_ =	shalt  }
0x70: {  	_ =	shalt  }
0x71: {  	_ =	shalt  }
0x72: {  	_ =	shalt  }
0x73: {  	_ =	shalt  }
0x74: {  	_ =	shalt  }
0x75: {  	_ =	shalt  }
0x76: {  	_ =	shalt  }
0x77: {  	_ =	shalt  }
0x78: {  	_ =	shalt  }
0x79: {  	_ =	shalt  }
0x7a: {  	_ =	shalt  }
0x7b: {  	_ =	shalt  }
0x7c: {  	_ =	shalt  }
0x7d: {  	_ =	shalt  }
0x7e: {  	_ =	shalt  }
0x7f: {  	_ =	shalt  }
0x80: {  	_ =	shalt  }
0x81: {  	_ =	shalt  }
0x82: {  	_ =	shalt  }
0x83: {  	_ =	shalt  }
0x84: {  	_ =	shalt  }
0x85: {  	_ =	shalt  }
0x86: {  	_ =	shalt  }
0x87: {  	_ =	shalt  }
.Lfunc_end0:
.L_simem_size_0:
called_computation_lowered:
.L_overlay_start_0:
0x88: {  	s0 =	sld [smem:$0x3FD9]  }
0x89: {  	s1 =	sld [smem:$0x3FFE];
	_ =	sdelay $0x3  }
0x8a: {  	s0 =	sadd.s32 s1, s0  }
0x8b: {  	[smem:$0x3FC0] =	sst s0  }
0x8c: {  	_ = 	snop  }
0x8d: {  	(tm) =	ssettm $0x1  }
0x8e: {  	s15 =	sld [smem:$0x3FFB];
	_ =	sdelay $0x3  }
0x8f: {  	_ =	strace s15  }
0x90: {  	s0 =	sld [smem:$0x3FFC];
	_ =	sdelay $0x3  }
0x91: {  	_ =	strace s0  }
0x92: {  	s0 =	sld [smem:$0x3FFD];
	_ =	sdelay $0x3  }
0x93: {  	_ =	strace s0  }
0x94: {  	_ =	strace $0x8FFFFFFF  }
0x95: {  	s16 =	sld [smem:$0x3FDB];
	_ =	sdelay $0x1  }
0x96: {  	s17 =	simm.s32 $_scs_section_size  }
0x97: {  	s2 =	simm.s32 $_size__tile_overlayer_lowered;
	s3 =	simm.s32 $_tile_overlayer_lowered  }
0x98: {  	s20 =	simm.s32 $0x1BFF;
	s19 =	sshll.u32 s3, $0x1;
	s0 =	sadd.s32 s17, s16  }
0x99: {  	s4 =	simm.s32 $0x0;
	s18 =	sshll.u32 s2, $0x1;
	s2 =	sadd.s32 s19, s0  }
0x9a: {  	[timem:s4], [sflag:s20] =	dma.local [hbm:s2], s18  }
0x9b: {  	_ =	swait.ge [sflag:s20], s18  }
0x9c: {  	s1 =	ssub.s32 $0x0, s18;
	[sflag:s20] =	ssyncset.done $0x0  }
0x9d: {  	[sflag:s20] =	ssyncadd.s32 s1;
	_ =	sdelay $0x1  }
0x9e: {  	s21 =	simm.s32 $0x1B8B  }
0x9f: {  	_ =	swait.ge [sflag:s21], $0x1  }
0xa0: {  	[sflag:s21] =	ssyncset.done $0x0  }
0xa1: {  	s23 =	simm.s32 $0x1B8E;
	s22 =	sld [smem:$0x3FFE];
	[sflag:s21] =	ssyncadd.s32 $0xFFFFFFFF  }
0xa2: {  	s24 =	simm.s32 $execute0_lowered;
	[smem:$0x3FD2] =	sst s23  }
0xa3: {  	s2 =	sshll.u32 s24, $0x1;
	_ =	strace $0x80000046;
	[dreg:$0x1] =	wrdreg $0xFFFFFFFF  }
0xa4: {  	s25 =	simm.s32 $_size_execute0_lowered;
	s0 =	sadd.s32 s0, s2;
	[dreg:$0x0] =	wrdreg $0x0  }
0xa5: {  	s2 =	sshll.u32 s25, $0x1;
	[dreg:$0x2] =	wrdreg s0  }
0xa6: {  	[dreg:$0x3] =	wrdreg s2  }
0xa7: {  	[dreg:$0x4] =	wrdreg $0xC0  }
0xa8: {  	_ =	task [dreg:s4], $0x5FFFF  }
0xa9: {  	[dreg:$0x1] =	wrdreg $0xFFFFFFFF  }
0xaa: {  	[dreg:$0x0] =	wrdreg $0x60  }
0xab: {  	[dreg:$0x2] =	wrdreg s22  }
0xac: {  	[dreg:$0x3] =	wrdreg $0x9  }
0xad: {  	_ =	task.clear_ibuf [dreg:s4], $0x4FFFF;
	_ =	strace $0x90000046  }
0xae: {  	s26 =	simm.s32 $0x9;
	_ =	strace $0x80000048  }
0xaf: {  	_ =	swait.ge [sflag:s26], $0x1  }
0xb0: {  	[sflag:s26] =	ssyncadd.s32 $0xFFFFFFFF  }
0xb1: {  	_ =	strace $0x90000048  }
0xb2: {  	_ =	sfence  }
0xb3: {  	s28 =	sld [smem:$0x0];
	_ =	sdelay $0x1  }
0xb4: {  	s29 =	srdreg.scid  }
0xb5: {  	s30 =	sshll.u32 s29, $0xD;
	s31 =	sshrl.u32 s29, $0x2  }
0xb6: {  	s1 =	sand.u32 $0x1, s29;
	s2 =	sand.u32 $0x4000, s30;
	s0 =	sadd.s32 s31, s28  }
0xb7: {  	s1 =	sor.u32 s2, s1;
	s0 =	sshll.u32 s0, $0x11  }
0xb8: {  	s0 =	sor.u32 s0, s1  }
0xb9: {  	s0 =	sadd.s32 $0x8F2B, s0  }
0xba: {  	[sflag:s0] =	ssyncadd.remote.s32 $0x1  }
0xbb: {  	_ =	sfence.sel $0xFFFF  }
0xbc: {  	[dreg:$0x0] =	wrdreg $0xFFFFFFFF;
	(pc) =	sbr.abs _section_cstart, $3  }
0xbd: {  	[dreg:$0x1] =	wrdreg $0xFFFFFFFF  }
0xbe: {  	_ =	task.clear_ibuf [dreg:s4], $0x2FFFF;
	_ =	strace $0x9FFFFFFF  }
0xbf: {  	(tm) =	ssettm $0x7FFFFFFF  }
tec
execute0_lowered:
.L_overlay_start_1:
0x0: {  	(tag) =	ssettag $0x1  }
0x1: {  	s0 =	stileid.u32  }
0x2: {  	s1 =	smin.u32 s0, $0xE  }
0x3: {  	s1 =	sadd.s32 s0, s1  }
0x4: {  	s2 =	simm.s32 $0x190;
	p0 =	slt.u32 s0, $0xE;
	s1 =	smul.u32 $0xC8, s1  }
0x5: {  	s2 =	simm.s32 @!p0 $0xC8  }
0x6: {  	s2 =	sadd.s32 s2, s1  }
0x7: {  	s3 =	smin.u32 s2, $0x1770  }
0x8: {  	s7 =	ssub.s32 s3, s1  }
0x9: {  	p0 =	sgt.s32 s7, $0x0  }
0xa: {  	s7 =	simm.s32 @!p0 $0x0  }
0xb: {  	s31 =	sand.u32 $0xFFF8, s7  }
0xc: {  	s2 =	sshrl.u32 s31, $0x3  }
0xd: {  	s2 =	smul.u32 $0x147B, s2  }
0xe: {  	s4 =	rddreg [dreg:$0x0];
	s6 =	simm.s32 $0x1  }
0xf: {  	s10 =	simm.s32 $0x3;
	s13 =	simm.s32 $0x0;
	s8 =	sshrl.u32 s2, $0x11  }
0x10: {  	s12 =	simm.s32 $0x0;
	s5 =	sadd.s32 $0x400, s4;
	s9 =	smul.u32 $0xC8, s8  }
.Ltmp0:
0x11: {  	s11 =	smov.u32 s1;
	s2 =	rddreg [dreg:$0x1];
	(pc) =	sbr.rel .LBB2_1-.Ltmp0, $4  }
0x12: {  	_ =	strace $0x80000047;
	p0 =	sne.s32 s7, s9;
	s9 =	simm.s32 $0x1  }
0x13: {  	[sflag:s6] =	ssyncpa.u1 $0x0;
	s7 =	simm.s32 $0x2;
	s9 =	simm.s32 @!p0 $0x0  }
0x14: {  	[sflag:s7] =	ssyncpa.u1 $0x0;
	p0 =	por $0x0, $0x0;
	s8 =	sadd.s32 s8, s9  }
0x15: {  	vm0 =	vmmov $0xff;
	vm1 =	vcmask $0x3F20;
	s9 =	sadd.s32 $0x90400, s4;
	[sflag:s10] =	ssyncpa.u1 $0x0;
	s10 =	sadd.s32 $0x1, s8  }
.LBB2_6:
0x16: {  	[hbm:s17] =	stream.linear.scatter [tilespmem:s14], [sflag:$0x3], $0x400, $0x38;
	[tilespmem:$0xC990] =	vst v63  }
.LBB2_7:
0x17: {  	s13 =	sadd.s32 $0xC8, s11  }
0x18: {  	s15 =	smov.u32 s1;
	p2 =	slt.s32 s13, s3  }
0x19: {  	s15 =	smov.u32 @p2 s13;
	p2 =	sne.s32 s12, s10  }
.Ltmp1:
0x1a: {  	p1 =	slt.u32 s12, $0x2;
	(pc) =	sbr.rel @!p2 .LBB2_8-.Ltmp1, $4  }
0x1b: {  	s14 =	simm.s32 @!p1 $0x3  }
0x1c: {  	s16 =	sadd.s32 $0x1, s12;
	_ =	swait.ge @!p1 [sflag:s14], $0x6400  }
0x1d: {  	p0 =	por !p0, !p0;
	s13 =	smov.u32 s11;
	[sflag:s14] =	ssyncset.done @!p1 $0x0  }
0x1e: {  	s12 =	smov.u32 s16;
	s11 =	smov.u32 s15;
	[sflag:s14] =	ssyncadd.s32 @!p1 $0xFFFF9C00  }
.LBB2_1:
0x1f: {  	p1 =	sge.u32 s12, s8  }
0x20: {  	s14 =	sxor.u32 @!p1 $0xFFFFFFFF, s12  }
0x21: {  	s14 =	sand.u32 @!p1 $0x1, s14  }
0x22: {  	s14 =	smul.u32 @!p1 $0x320, s14  }
0x23: {  	s31 =	sadd.s32 $0xFFFFFFFF, s12;
	s15 =	sshrl.u32 @!p1 s11, $0x3  }
0x24: {  	s16 =	sand.u32 @!p1 $0x7, s11;
	s15 =	sadd.s32 @!p1 s4, s15;
	s14 =	sshrl.u32 @!p1 s14, $0x2  }
0x25: {  	[tilespmem:s14], [sflag:$0x2] =	stream.linear.gather @!p1 [hbm4b:s15+s16], $0xC8, $0x38;
	[tilespmem:$0xC990] =	vst v63  }
0x26: {  	p1 =	sge.u32 s31, s8  }
.Ltmp2:
0x27: {  	_ = 	snop;
	(pc) =	sbr.rel @p1 .LBB2_7-.Ltmp2, $1  }
0x28: {  	_ =	sdelay $0x3  }
0x29: {  	s14 =	simm.s32 $0x1  }
0x2a: {  	s14 =	simm.s32 @!p0 $0x0  }
0x2b: {  	s15 =	smul.u32 $0x320, s14  }
0x2c: {  	_ =	swait.ge [sflag:s7], $0xC8  }
0x2d: {  	[sflag:s7] =	ssyncset.done $0x0;
	s16 =	sshrl.u32 s15, $0x2  }
0x2e: {  	[sflag:s7] =	ssyncadd.s32 $0xFFFFFF38;
	s15 =	sadd.s32 $0x0, s16  }
0x2f: {  	v0 =	vld.msk [tilespmem:s15+$0x0 ss:$0x1], $0xffff;
	_ =	sdelay $0x4  }
0x30: {  	vm2 =	vgt.s32 v0, $0x0  }
0x31: {  	v0 =	vnsel vm2, $0x0, v0  }
0x32: {  	v0 =	vmin.u32 v0, $0x8FFF  }
0x33: {  	v0 =	vshll.u32 v0, $0x4  }
0x34: {  	s14 =	smul.u32 $0x19000, s14  }
0x35: {  	s31 =	sand.u32 $0x1, s12  }
0x36: {  	s17 =	smul.u32 $0x320, s31;
	s14 =	sshrl.u32 s14, $0x2  }
0x37: {  	s19 =	smul.u32 $0x19000, s31;
	s14 =	sor.u32 $0x190, s14  }
0x38: {  	[tilespmem:s14], [sflag:$0x1] =	stream.indirect_vreg.gather [hbm:s5], $0x80, v0, vm0, $0x38;
	[tilespmem:$0xC990] =	vst v63  }
0x39: {  	s18 =	sshrl.u32 s17, $0x2;
	s20 =	sadd.s32 $0x10, s16;
	s15 =	sadd.s32 $0x400, s14  }
0x3a: {  	[tilespmem:s15], [sflag:$0x1] =	stream.indirect_vreg.gather [hbm:s5], $0x80, v0, vm1, $0x38;
	[tilespmem:$0xC990] =	vst v63  }
0x3b: {  	s17 =	sshrl.u32 s19, $0x2;
	s19 =	smov.u32 s14;
	v0 =	vld.msk [tilespmem:s20+$0x0 ss:$0x1], $0xffff;
	s20 =	simm.s32 $0x80  }
.LBB2_3:
0x3c: {  	p1 =	sne.s32 s20, $0x2C0;
	_ =	sdelay $0x4  }
0x3d: {  	vm2 =	vgt.s32 v0, $0x0  }
0x3e: {  	v0 =	vnsel vm2, $0x0, v0  }
0x3f: {  	v0 =	vmin.u32 v0, $0x8FFF  }
0x40: {  	v0 =	vshll.u32 v0, $0x4;
	_ =	sdelay $0x3  }
.Ltmp3:
0x41: {  	s21 =	sshra.s32 s20, $0x2;
	s19 =	sadd.s32 $0x800, s19;
	(pc) =	sbr.rel @p1 .LBB2_3-.Ltmp3, $4  }
0x42: {  	[tilespmem:s19], [sflag:$0x1] =	stream.indirect_vreg.gather [hbm:s5], $0x80, v0, vm0, $0x38;
	[tilespmem:$0xC990] =	vst v63  }
0x43: {  	s21 =	sadd.s32 s21, s16;
	s22 =	sadd.s32 $0x400, s19  }
0x44: {  	[tilespmem:s22], [sflag:$0x1] =	stream.indirect_vreg.gather [hbm:s5], $0x80, v0, vm1, $0x38;
	[tilespmem:$0xC990] =	vst v63  }
0x45: {  	s20 =	sadd.s32 $0x40, s20;
	v0 =	vld.msk [tilespmem:s21+$0x0 ss:$0x1], $0xffff  }
0x46: {  	_ =	sdelay $0x3  }
0x47: {  	vm2 =	vgt.s32 v0, $0x0  }
0x48: {  	v0 =	vnsel vm2, $0x0, v0  }
0x49: {  	v0 =	vmin.u32 v0, $0x8FFF  }
0x4a: {  	v0 =	vshll.u32 v0, $0x4;
	_ =	sdelay $0x3  }
0x4b: {  	s16 =	sadd.s32 $0x800, s19  }
0x4c: {  	[tilespmem:s16], [sflag:$0x1] =	stream.indirect_vreg.gather [hbm:s5], $0x80, v0, vm0, $0x38;
	[tilespmem:$0xC990] =	vst v63  }
0x4d: {  	s16 =	sadd.s32 $0x400, s16  }
0x4e: {  	[tilespmem:s16], [sflag:$0x1] =	stream.indirect_vreg.gather [hbm:s5], $0x80, v0, vm1, $0x38;
	[tilespmem:$0xC990] =	vst v63  }
0x4f: {  	v0 =	vld.msk [tilespmem:s18+$0xC0 ss:$0x1], $0xff;
	_ =	sdelay $0x4  }
0x50: {  	vm2 =	vgt.s32 v0, $0x0  }
0x51: {  	v0 =	vnsel vm2, $0x0, v0  }
0x52: {  	v0 =	vmin.u32 v0, $0x8FFF  }
0x53: {  	v0 =	vshll.u32 v0, $0x4;
	_ =	sdelay $0x3  }
0x54: {  	s31 =	sadd.s32 $0x6190, s17  }
0x55: {  	[tilespmem:s31], [sflag:$0x1] =	stream.indirect_vreg.gather [hbm:s5], $0x80, v0, vm0, $0x38;
	[tilespmem:$0xC990] =	vst v63  }
0x56: {  	s13 =	sshll.u32 s13, $0x4;
	_ =	swait.ge [sflag:s6], $0x6400  }
0x57: {  	s13 =	sadd.s32 s13, s9;
	[sflag:s6] =	ssyncset.done $0x0  }
0x58: {  	s17 =	sadd.s32 $0x0, s13;
	s16 =	simm.s32 $0x80;
	[sflag:s6] =	ssyncadd.s32 $0xFFFF9C00  }
.LBB2_5:
0x59: {  	[hbm:s17] =	stream.linear.scatter [tilespmem:s14], [sflag:$0x3], $0x400, $0x38;
	[tilespmem:$0xC990] =	vst v63  }
0x5a: {  	s17 =	smov.u32 s16;
	s14 =	smov.u32 s15;
	p1 =	sne.s32 s16, $0xC00  }
.Ltmp4:
0x5b: {  	s16 =	sadd.s32 $0x80, s16;
	(pc) =	sbr.rel @p1 .LBB2_5-.Ltmp4, $2  }
0x5c: {  	_ =	sdelay $0x2  }
0x5d: {  	s15 =	sadd.s32 $0x400, s15;
	s17 =	sadd.s32 s17, s13  }
.Ltmp5:
0x5e: {  	_ = 	snop;
	(pc) =	sbr.rel .LBB2_6-.Ltmp5, $1  }
0x5f: {  	_ =	sdelay $0x3  }
.LBB2_8:
0x60: {  	_ =	sfence.sel $0x180000  }
0x61: {  	s1 =	simm.s32 $0x2;
	[bflag:$0x0] =	sbarrier.arrive $0xFFFF  }
0x62: {  	s30 =	simm.s32 $0x3;
	[sflag:s1] =	ssyncpa.u1 $0x1  }
0x63: {  	s31 =	simm.s32 $0x1;
	[sflag:s30] =	ssyncpa.u1 $0x1  }
0x64: {  	[sflag:s31] =	ssyncpa.u1 $0x1  }
0x65: {  	p0 =	sne.s32 s0, $0x0;
	_ =	strace $0x90000047  }
0x66: {  	s0 =	sadd.s32 @!p0 $0x100000, s2;
	[bflag:$0x2] =	sbarrier.arrive $0xFFFF  }
0x67: {  	[sflag:s0] =	ssyncadd.tile.s32 @!p0 $0x1;
	_ =	shalt  }
.Lfunc_end2:
_tile_overlayer_lowered:
.L_overlay_start_2:
0x68: {  	(tag) =	ssettag $0x2  }
0x69: {  	s0 =	rddreg [dreg:$0x0];
	s2 =	stileid.u32  }
0x6a: {  	s1 =	rddreg [dreg:$0x1];
	p0 =	sne.s32 s2, $0x0  }
0x6b: {  	s3 =	rddreg [dreg:$0x2];
	[bflag:$0x3] =	sbarrier.arrive $0xFFFF;
	s2 =	simm.s32 @!p0 $0x1C01  }
0x6c: {  	[timem:s3], [sflag:s2] =	dma.local @!p0 [hbm:s0], s1  }
0x6d: {  	s0 =	simm.s32 @!p0 $0x1  }
0x6e: {  	_ =	swait.ge @!p0 [sflag:s0], s1  }
0x6f: {  	s1 =	ssub.s32 @!p0 $0x0, s1;
	[sflag:s0] =	ssyncset.done @!p0 $0x0  }
0x70: {  	[sflag:s0] =	ssyncadd.s32 @!p0 s1  }
0x71: {  	[bflag:$0x3] =	sbarrier.arrive $0xFFFF  }
0x72: {  	_ =	shalt  }

</sc_bundles>
